<compile_context>
chip_gen: v7x
topology: tpu7x:2x2x1
jax: 0.10.2.dev20260603
libtpu: 0.0.44.dev20260713+nightly
codegen_flags: <defaults>
</compile_context>

<pallas_src>
import functools

import jax
import jax.numpy as jnp
from jax import lax
from jax.experimental import pallas as pl
from jax.experimental.pallas import tpu as pltpu
from jax.experimental.pallas import tpu_sc as plsc


@functools.lru_cache(maxsize=None)
def _gather_call(s, b, v, d):
    info = plsc.get_sparse_core_info()
    nw = info.num_cores * info.num_subcores
    bc = b // nw
    nch = s // 2

    mesh = plsc.VectorSubcoreMesh(core_axis_name="c", subcore_axis_name="s")

    def body(table_hbm, ids_hbm, out_hbm, idx_v, g_v, gs0, gs1, ws0, ws1):
        cid = lax.axis_index("c")
        sid = lax.axis_index("s")
        wid = sid * info.num_cores + cid
        b_off = pl.multiple_of(wid * bc, 128)
        gsem = (gs0, gs1)
        wsem = (ws0, ws1)
        pltpu.sync_copy(ids_hbm.at[:, pl.ds(b_off, bc)], idx_v)

        def fire(ci, slot):
            for h in range(2):
                pltpu.async_copy(table_hbm.at[idx_v.at[2 * ci + h]],
                                 g_v.at[slot, h], gsem[slot])

        def wait_gather(slot):
            for h in range(2):
                pltpu.make_async_copy(table_hbm.at[idx_v.at[0]],
                                      g_v.at[slot, h], gsem[slot]).wait()

        def wait_write(slot):
            pltpu.make_async_copy(
                g_v.at[slot],
                out_hbm.at[pl.ds(0, 2), pl.ds(0, bc), :], wsem[slot]).wait()

        fire(0, 0)

        ntrip = nch // 2

        def trip(t, carry):
            for k in range(2):
                ci = 2 * t + k

                @pl.when(ci + 1 < nch)
                def _(ci=ci, k=k):
                    @pl.when(ci >= 1)
                    def _():
                        wait_write(1 - k)
                    fire(ci + 1, 1 - k)
                wait_gather(k)
                s_off = pl.multiple_of(2 * ci, 2)
                pltpu.async_copy(
                    g_v.at[k],
                    out_hbm.at[pl.ds(s_off, 2), pl.ds(b_off, bc), :], wsem[k])
            return carry

        lax.fori_loop(0, ntrip, trip, 0)
        wait_write(0)
        wait_write(1)

    return pl.kernel(
        body,
        out_type=jax.ShapeDtypeStruct((s, b, 2 * d), jnp.float32),
        mesh=mesh,
        scratch_types=(
            pltpu.VMEM((s, bc), jnp.int32),
            pltpu.VMEM((2, 2, bc, 2 * d), jnp.float32),
            pltpu.SemaphoreType.DMA, pltpu.SemaphoreType.DMA,
            pltpu.SemaphoreType.DMA, pltpu.SemaphoreType.DMA,
        ),
        compiler_params=pltpu.CompilerParams(
            use_tc_tiling_on_sc=True, needs_layout_passes=False),
    )


def kernel(input_ids, table):
    s, b = input_ids.shape
    v, d = table.shape
    padded = jnp.pad(table, ((0, 0), (0, 128 - d)))
    out = _gather_call(s, b, v, d)(padded, input_ids)
    return out[:, :, :d]

# --- scband reference (transcript-rebuilt; emitter-appended) ---
"""Pipeline reference for scband-token-embedding-4243427689243 (READ-ONLY COPY).

The authoritative reference and input builder live on the scoring server;
editing this copy changes nothing except your own understanding.
"""

import jax, jax.numpy as jnp
import numpy as np

VOCAB_SIZE = 1000000
HIDDEN_SIZE = 64
PAD_TOKEN_ID = 0
INIT_RANGE = 0.02
SEQ_LEN = 200
BATCH = 4096


def setup_inputs(seed: int = 0) -> dict:
    key = jax.random.key(seed)
    k_ids, k_tab = jax.random.split(key)
    input_ids = jax.random.randint(k_ids, (SEQ_LEN, BATCH), 0, VOCAB_SIZE, dtype=jnp.int32)
    # nn.Embedding weight re-initialized by _reset_parameters with normal_(mean=0, std=initializer_range).
    # Note: normal_ overwrites the padding row too (torch only zeros it at construction time),
    # so the table has no zero row after init.
    table = jax.random.normal(k_tab, (VOCAB_SIZE, HIDDEN_SIZE), dtype=jnp.float32) * INIT_RANGE
    return {"input_ids": input_ids, "table": table}


def reference(input_ids, table):
    # TokenEmbedding.forward: embedding lookup, [seq_len, batch] -> [seq_len, batch, hidden]
    return jnp.take(table, input_ids, axis=0)

if __name__ == "__main__":
    import jax
    _d = setup_inputs()
    print(jax.jit(kernel)(*tuple(_d.values())))

</pallas_src>

<mosaic_0001>
#map = affine_map<(d0, d1) -> (0, 0)>
#map1 = affine_map<(d0, d1) -> (0, 0, 0)>
module attributes {stable_mosaic.version = 14 : i64} {
  func.func @body(%arg0: i32, %arg1: i32, %arg2: memref<1000000x128xf32, #tpu.memory_space<hbm>>, %arg3: memref<200x4096xi32, #tpu.memory_space<hbm>>, %arg4: memref<200x4096x128xf32, #tpu.memory_space<hbm>>, %arg5: memref<200x128xi32, #tpu.memory_space<vmem>>, %arg6: memref<2x2x128x128xf32, #tpu.memory_space<vmem>>, %arg7: memref<!tpu.dma_semaphore, #tpu.memory_space<semaphore_mem>>, %arg8: memref<!tpu.dma_semaphore, #tpu.memory_space<semaphore_mem>>, %arg9: memref<!tpu.dma_semaphore, #tpu.memory_space<semaphore_mem>>, %arg10: memref<!tpu.dma_semaphore, #tpu.memory_space<semaphore_mem>>) attributes {dimension_semantics = [#tpu.dimension_semantics<core_parallel>, #tpu.dimension_semantics<subcore_parallel>], iteration_bounds = array<i64: 2, 16>, scalar_prefetch = 0 : i64, scratch_operands = 6 : i64, tpu.core_type = #tpu.core_type<sc_vector_subcore>, window_params = [{transform_indices = #map}, {transform_indices = #map}, {transform_indices = #map1}]} {
    %mul3A = arith.constant 2 : i32
    %mul3A_0 = arith.muli %arg1, %mul3A : i32
    %add3A = arith.addi %mul3A_0, %arg0 : i32
    %mul3A_1 = arith.constant 128 : i32
    %mul3A_2 = arith.muli %add3A, %mul3A_1 : i32
    %multiple_of3A = tpu.assume_multiple %mul3A_2, 128 : i32
    "tpu.region"() ({
      %run_scoped3A = tpu.sem_alloc : memref<!tpu.dma_semaphore, #tpu.memory_space<semaphore_mem>>
      %dma_start3A_70 = arith.constant 0 : i32
      %dma_start3A_71 = tpu.memref_slice %arg3[%dma_start3A_70, %multiple_of3A] : memref<200x4096xi32, #tpu.memory_space<hbm>> -> memref<200x128xi32, #tpu.memory_space<hbm>>
      %dma_start3A_72 = arith.constant 0 : i32
      %dma_start3A_73 = tpu.memref_slice %arg3[%dma_start3A_72, %multiple_of3A] : memref<200x4096xi32, #tpu.memory_space<hbm>> -> memref<200x128xi32, #tpu.memory_space<hbm>>
      tpu.enqueue_dma source(%dma_start3A_73 : memref<200x128xi32, #tpu.memory_space<hbm>>) target(%arg5 : memref<200x128xi32, #tpu.memory_space<vmem>>) target_semaphore(%run_scoped3A : memref<!tpu.dma_semaphore, #tpu.memory_space<semaphore_mem>>)
      %dma_wait3A_74 = arith.constant 0 : i32
      %dma_wait3A_75 = tpu.memref_slice %arg3[%dma_wait3A_74, %multiple_of3A] : memref<200x4096xi32, #tpu.memory_space<hbm>> -> memref<200x128xi32, #tpu.memory_space<hbm>>
      %dma_wait3A_76 = arith.constant 0 : i32
      %dma_wait3A_77 = tpu.memref_slice %arg3[%dma_wait3A_76, %multiple_of3A] : memref<200x4096xi32, #tpu.memory_space<hbm>> -> memref<200x128xi32, #tpu.memory_space<hbm>>
      tpu.wait_dma2 semaphore(%run_scoped3A : memref<!tpu.dma_semaphore, #tpu.memory_space<semaphore_mem>>) src(%dma_wait3A_77 : memref<200x128xi32, #tpu.memory_space<hbm>>) dst(%arg5 : memref<200x128xi32, #tpu.memory_space<vmem>>)
      tpu.yield
    }) : () -> ()
    %dma_start3A = arith.constant 0 : i32
    %dma_start3A_3 = arith.constant 0 : i32
    %dma_start3A_4 = arith.constant 0 : i32
    %dma_start3A_5 = arith.constant 0 : i32
    %dma_start3A_6 = arith.constant 0 : i32
    %dma_start3A_7 = tpu.memref_slice %arg6[%dma_start3A_3, %dma_start3A_4, %dma_start3A_5, %dma_start3A_6] : memref<2x2x128x128xf32, #tpu.memory_space<vmem>> -> memref<1x1x128x128xf32, #tpu.memory_space<vmem>>
    %dma_start3A_8 = tpu.memref_squeeze %dma_start3A_7 : memref<1x1x128x128xf32, #tpu.memory_space<vmem>> -> memref<128x128xf32, #tpu.memory_space<vmem>>
    %dma_start3A_9 = arith.constant 0 : i32
    %dma_start3A_10 = tpu.memref_slice %arg5[%dma_start3A, %dma_start3A_9] : memref<200x128xi32, #tpu.memory_space<vmem>> -> memref<1x128xi32, #tpu.memory_space<vmem>>
    %dma_start3A_11 = tpu.memref_squeeze %dma_start3A_10 : memref<1x128xi32, #tpu.memory_space<vmem>> -> memref<128xi32, #tpu.memory_space<vmem>>
    %dma_start3A_12 = arith.constant 0 : i32
    %dma_start3A_13 = arith.constant 0 : i32
    %dma_start3A_14 = tpu.memref_slice %arg2[%dma_start3A_12, %dma_start3A_13] : memref<1000000x128xf32, #tpu.memory_space<hbm>> -> memref<1000000x128xf32, #tpu.memory_space<hbm>>
    tpu.enqueue_indirect_dma source(%dma_start3A_14 : memref<1000000x128xf32, #tpu.memory_space<hbm>>) target(%dma_start3A_8 : memref<128x128xf32, #tpu.memory_space<vmem>>) offsets(%dma_start3A_11 : memref<128xi32, #tpu.memory_space<vmem>>) semaphore(%arg7 : memref<!tpu.dma_semaphore, #tpu.memory_space<semaphore_mem>>)
    %dma_start3A_15 = arith.constant 1 : i32
    %dma_start3A_16 = arith.constant 0 : i32
    %dma_start3A_17 = arith.constant 1 : i32
    %dma_start3A_18 = arith.constant 0 : i32
    %dma_start3A_19 = arith.constant 0 : i32
    %dma_start3A_20 = tpu.memref_slice %arg6[%dma_start3A_16, %dma_start3A_17, %dma_start3A_18, %dma_start3A_19] : memref<2x2x128x128xf32, #tpu.memory_space<vmem>> -> memref<1x1x128x128xf32, #tpu.memory_space<vmem>>
    %dma_start3A_21 = tpu.memref_squeeze %dma_start3A_20 : memref<1x1x128x128xf32, #tpu.memory_space<vmem>> -> memref<128x128xf32, #tpu.memory_space<vmem>>
    %dma_start3A_22 = arith.constant 0 : i32
    %dma_start3A_23 = tpu.memref_slice %arg5[%dma_start3A_15, %dma_start3A_22] : memref<200x128xi32, #tpu.memory_space<vmem>> -> memref<1x128xi32, #tpu.memory_space<vmem>>
    %dma_start3A_24 = tpu.memref_squeeze %dma_start3A_23 : memref<1x128xi32, #tpu.memory_space<vmem>> -> memref<128xi32, #tpu.memory_space<vmem>>
    %dma_start3A_25 = arith.constant 0 : i32
    %dma_start3A_26 = arith.constant 0 : i32
    %dma_start3A_27 = tpu.memref_slice %arg2[%dma_start3A_25, %dma_start3A_26] : memref<1000000x128xf32, #tpu.memory_space<hbm>> -> memref<1000000x128xf32, #tpu.memory_space<hbm>>
    tpu.enqueue_indirect_dma source(%dma_start3A_27 : memref<1000000x128xf32, #tpu.memory_space<hbm>>) target(%dma_start3A_21 : memref<128x128xf32, #tpu.memory_space<vmem>>) offsets(%dma_start3A_24 : memref<128xi32, #tpu.memory_space<vmem>>) semaphore(%arg7 : memref<!tpu.dma_semaphore, #tpu.memory_space<semaphore_mem>>)
    %scan3A = arith.constant 0 : i32
    %scan3A_28 = arith.constant 0 : i32
    %scan3A_29 = arith.constant 50 : i32
    %scan3A_30 = arith.addi %scan3A_28, %scan3A_29 : i32
    %scan3A_31 = arith.constant 1 : i32
    scf.for %scan3A_70 = %scan3A_28 to %scan3A_30 step %scan3A_31  : i32 {
      %mul3A_71 = arith.constant 2 : i32
      %mul3A_72 = arith.muli %mul3A_71, %scan3A_70 : i32
      %add3A_73 = arith.constant 0 : i32
      %add3A_74 = arith.addi %mul3A_72, %add3A_73 : i32
      %add3A_75 = arith.constant 1 : i32
      %add3A_76 = arith.addi %add3A_74, %add3A_75 : i32
      %lt3A = arith.constant 100 : i32
      %lt3A_77 = arith.cmpi slt, %add3A_76, %lt3A : i32
      %convert_element_type3A = arith.extui %lt3A_77 : i1 to i32
      %cond3A = arith.constant 0 : i32
      %cond3A_78 = arith.cmpi ne, %convert_element_type3A, %cond3A : i32
      scf.if %cond3A_78 {
        %ge3A = arith.constant 1 : i32
        %ge3A_178 = arith.cmpi sge, %add3A_74, %ge3A : i32
        %convert_element_type3A_179 = arith.extui %ge3A_178 : i1 to i32
        %cond3A_180 = arith.constant 0 : i32
        %cond3A_181 = arith.cmpi ne, %convert_element_type3A_179, %cond3A_180 : i32
        scf.if %cond3A_181 {
          %dma_wait3A_216 = arith.constant 1 : i32
          %dma_wait3A_217 = arith.constant 0 : i32
          %dma_wait3A_218 = arith.constant 0 : i32
          %dma_wait3A_219 = arith.constant 0 : i32
          %dma_wait3A_220 = tpu.memref_slice %arg6[%dma_wait3A_216, %dma_wait3A_217, %dma_wait3A_218, %dma_wait3A_219] : memref<2x2x128x128xf32, #tpu.memory_space<vmem>> -> memref<1x2x128x128xf32, #tpu.memory_space<vmem>>
          %dma_wait3A_221 = tpu.memref_squeeze %dma_wait3A_220 : memref<1x2x128x128xf32, #tpu.memory_space<vmem>> -> memref<2x128x128xf32, #tpu.memory_space<vmem>>
          %dma_wait3A_222 = arith.constant 0 : i32
          %dma_wait3A_223 = arith.constant 0 : i32
          %dma_wait3A_224 = arith.constant 0 : i32
          %dma_wait3A_225 = tpu.memref_slice %arg4[%dma_wait3A_222, %dma_wait3A_223, %dma_wait3A_224] : memref<200x4096x128xf32, #tpu.memory_space<hbm>> -> memref<2x128x128xf32, #tpu.memory_space<hbm>>
          %dma_wait3A_226 = arith.constant 0 : i32
          %dma_wait3A_227 = arith.constant 0 : i32
          %dma_wait3A_228 = arith.constant 0 : i32
          %dma_wait3A_229 = tpu.memref_slice %arg4[%dma_wait3A_226, %dma_wait3A_227, %dma_wait3A_228] : memref<200x4096x128xf32, #tpu.memory_space<hbm>> -> memref<2x128x128xf32, #tpu.memory_space<hbm>>
          %dma_wait3A_230 = arith.constant 0 : i32
          %dma_wait3A_231 = arith.constant 0 : i32
          %dma_wait3A_232 = arith.constant 0 : i32
          %dma_wait3A_233 = tpu.memref_slice %arg6[%dma_wait3A_216, %dma_wait3A_230, %dma_wait3A_231, %dma_wait3A_232] : memref<2x2x128x128xf32, #tpu.memory_space<vmem>> -> memref<1x2x128x128xf32, #tpu.memory_space<vmem>>
          %dma_wait3A_234 = tpu.memref_squeeze %dma_wait3A_233 : memref<1x2x128x128xf32, #tpu.memory_space<vmem>> -> memref<2x128x128xf32, #tpu.memory_space<vmem>>
          tpu.wait_dma2 semaphore(%arg10 : memref<!tpu.dma_semaphore, #tpu.memory_space<semaphore_mem>>) src(%dma_wait3A_234 : memref<2x128x128xf32, #tpu.memory_space<vmem>>) dst(%dma_wait3A_229 : memref<2x128x128xf32, #tpu.memory_space<hbm>>)
        } else {
        }
        %add3A_182 = arith.constant 1 : i32
        %add3A_183 = arith.addi %add3A_74, %add3A_182 : i32
        %mul3A_184 = arith.constant 2 : i32
        %mul3A_185 = arith.muli %mul3A_184, %add3A_183 : i32
        %add3A_186 = arith.constant 0 : i32
        %add3A_187 = arith.addi %mul3A_185, %add3A_186 : i32
        %dma_start3A_188 = arith.constant 1 : i32
        %dma_start3A_189 = arith.constant 0 : i32
        %dma_start3A_190 = arith.constant 0 : i32
        %dma_start3A_191 = arith.constant 0 : i32
        %dma_start3A_192 = tpu.memref_slice %arg6[%dma_start3A_188, %dma_start3A_189, %dma_start3A_190, %dma_start3A_191] : memref<2x2x128x128xf32, #tpu.memory_space<vmem>> -> memref<1x1x128x128xf32, #tpu.memory_space<vmem>>
        %dma_start3A_193 = tpu.memref_squeeze %dma_start3A_192 : memref<1x1x128x128xf32, #tpu.memory_space<vmem>> -> memref<128x128xf32, #tpu.memory_space<vmem>>
        %dma_start3A_194 = arith.constant 0 : i32
        %dma_start3A_195 = tpu.memref_slice %arg5[%add3A_187, %dma_start3A_194] : memref<200x128xi32, #tpu.memory_space<vmem>> -> memref<1x128xi32, #tpu.memory_space<vmem>>
        %dma_start3A_196 = tpu.memref_squeeze %dma_start3A_195 : memref<1x128xi32, #tpu.memory_space<vmem>> -> memref<128xi32, #tpu.memory_space<vmem>>
        %dma_start3A_197 = arith.constant 0 : i32
        %dma_start3A_198 = arith.constant 0 : i32
        %dma_start3A_199 = tpu.memref_slice %arg2[%dma_start3A_197, %dma_start3A_198] : memref<1000000x128xf32, #tpu.memory_space<hbm>> -> memref<1000000x128xf32, #tpu.memory_space<hbm>>
        tpu.enqueue_indirect_dma source(%dma_start3A_199 : memref<1000000x128xf32, #tpu.memory_space<hbm>>) target(%dma_start3A_193 : memref<128x128xf32, #tpu.memory_space<vmem>>) offsets(%dma_start3A_196 : memref<128xi32, #tpu.memory_space<vmem>>) semaphore(%arg8 : memref<!tpu.dma_semaphore, #tpu.memory_space<semaphore_mem>>)
        %mul3A_200 = arith.constant 2 : i32
        %mul3A_201 = arith.muli %mul3A_200, %add3A_183 : i32
        %add3A_202 = arith.constant 1 : i32
        %add3A_203 = arith.addi %mul3A_201, %add3A_202 : i32
        %dma_start3A_204 = arith.constant 1 : i32
        %dma_start3A_205 = arith.constant 1 : i32
        %dma_start3A_206 = arith.constant 0 : i32
        %dma_start3A_207 = arith.constant 0 : i32
        %dma_start3A_208 = tpu.memref_slice %arg6[%dma_start3A_204, %dma_start3A_205, %dma_start3A_206, %dma_start3A_207] : memref<2x2x128x128xf32, #tpu.memory_space<vmem>> -> memref<1x1x128x128xf32, #tpu.memory_space<vmem>>
        %dma_start3A_209 = tpu.memref_squeeze %dma_start3A_208 : memref<1x1x128x128xf32, #tpu.memory_space<vmem>> -> memref<128x128xf32, #tpu.memory_space<vmem>>
        %dma_start3A_210 = arith.constant 0 : i32
        %dma_start3A_211 = tpu.memref_slice %arg5[%add3A_203, %dma_start3A_210] : memref<200x128xi32, #tpu.memory_space<vmem>> -> memref<1x128xi32, #tpu.memory_space<vmem>>
        %dma_start3A_212 = tpu.memref_squeeze %dma_start3A_211 : memref<1x128xi32, #tpu.memory_space<vmem>> -> memref<128xi32, #tpu.memory_space<vmem>>
        %dma_start3A_213 = arith.constant 0 : i32
        %dma_start3A_214 = arith.constant 0 : i32
        %dma_start3A_215 = tpu.memref_slice %arg2[%dma_start3A_213, %dma_start3A_214] : memref<1000000x128xf32, #tpu.memory_space<hbm>> -> memref<1000000x128xf32, #tpu.memory_space<hbm>>
        tpu.enqueue_indirect_dma source(%dma_start3A_215 : memref<1000000x128xf32, #tpu.memory_space<hbm>>) target(%dma_start3A_209 : memref<128x128xf32, #tpu.memory_space<vmem>>) offsets(%dma_start3A_212 : memref<128xi32, #tpu.memory_space<vmem>>) semaphore(%arg8 : memref<!tpu.dma_semaphore, #tpu.memory_space<semaphore_mem>>)
      } else {
      }
      %dma_wait3A_79 = arith.constant 0 : i32
      %dma_wait3A_80 = arith.constant 0 : i32
      %dma_wait3A_81 = arith.constant 0 : i32
      %dma_wait3A_82 = arith.constant 0 : i32
      %dma_wait3A_83 = arith.constant 0 : i32
      %dma_wait3A_84 = tpu.memref_slice %arg6[%dma_wait3A_80, %dma_wait3A_81, %dma_wait3A_82, %dma_wait3A_83] : memref<2x2x128x128xf32, #tpu.memory_space<vmem>> -> memref<1x1x128x128xf32, #tpu.memory_space<vmem>>
      %dma_wait3A_85 = tpu.memref_squeeze %dma_wait3A_84 : memref<1x1x128x128xf32, #tpu.memory_space<vmem>> -> memref<128x128xf32, #tpu.memory_space<vmem>>
      %dma_wait3A_86 = arith.constant 0 : i32
      %dma_wait3A_87 = tpu.memref_slice %arg5[%dma_wait3A_79, %dma_wait3A_86] : memref<200x128xi32, #tpu.memory_space<vmem>> -> memref<1x128xi32, #tpu.memory_space<vmem>>
      %dma_wait3A_88 = tpu.memref_squeeze %dma_wait3A_87 : memref<1x128xi32, #tpu.memory_space<vmem>> -> memref<128xi32, #tpu.memory_space<vmem>>
      %dma_wait3A_89 = arith.constant 0 : i32
      %dma_wait3A_90 = arith.constant 0 : i32
      %dma_wait3A_91 = tpu.memref_slice %arg2[%dma_wait3A_89, %dma_wait3A_90] : memref<1000000x128xf32, #tpu.memory_space<hbm>> -> memref<1000000x128xf32, #tpu.memory_space<hbm>>
      tpu.wait_indirect_dma semaphore(%arg7 : memref<!tpu.dma_semaphore, #tpu.memory_space<semaphore_mem>>) src(%dma_wait3A_91 : memref<1000000x128xf32, #tpu.memory_space<hbm>>) dst(%dma_wait3A_85 : memref<128x128xf32, #tpu.memory_space<vmem>>)
      %dma_wait3A_92 = arith.constant 0 : i32
      %dma_wait3A_93 = arith.constant 0 : i32
      %dma_wait3A_94 = arith.constant 1 : i32
      %dma_wait3A_95 = arith.constant 0 : i32
      %dma_wait3A_96 = arith.constant 0 : i32
      %dma_wait3A_97 = tpu.memref_slice %arg6[%dma_wait3A_93, %dma_wait3A_94, %dma_wait3A_95, %dma_wait3A_96] : memref<2x2x128x128xf32, #tpu.memory_space<vmem>> -> memref<1x1x128x128xf32, #tpu.memory_space<vmem>>
      %dma_wait3A_98 = tpu.memref_squeeze %dma_wait3A_97 : memref<1x1x128x128xf32, #tpu.memory_space<vmem>> -> memref<128x128xf32, #tpu.memory_space<vmem>>
      %dma_wait3A_99 = arith.constant 0 : i32
      %dma_wait3A_100 = tpu.memref_slice %arg5[%dma_wait3A_92, %dma_wait3A_99] : memref<200x128xi32, #tpu.memory_space<vmem>> -> memref<1x128xi32, #tpu.memory_space<vmem>>
      %dma_wait3A_101 = tpu.memref_squeeze %dma_wait3A_100 : memref<1x128xi32, #tpu.memory_space<vmem>> -> memref<128xi32, #tpu.memory_space<vmem>>
      %dma_wait3A_102 = arith.constant 0 : i32
      %dma_wait3A_103 = arith.constant 0 : i32
      %dma_wait3A_104 = tpu.memref_slice %arg2[%dma_wait3A_102, %dma_wait3A_103] : memref<1000000x128xf32, #tpu.memory_space<hbm>> -> memref<1000000x128xf32, #tpu.memory_space<hbm>>
      tpu.wait_indirect_dma semaphore(%arg7 : memref<!tpu.dma_semaphore, #tpu.memory_space<semaphore_mem>>) src(%dma_wait3A_104 : memref<1000000x128xf32, #tpu.memory_space<hbm>>) dst(%dma_wait3A_98 : memref<128x128xf32, #tpu.memory_space<vmem>>)
      %mul3A_105 = arith.constant 2 : i32
      %mul3A_106 = arith.muli %mul3A_105, %add3A_74 : i32
      %multiple_of3A_107 = tpu.assume_multiple %mul3A_106, 2 : i32
      %dma_start3A_108 = arith.constant 0 : i32
      %dma_start3A_109 = arith.constant 0 : i32
      %dma_start3A_110 = arith.constant 0 : i32
      %dma_start3A_111 = arith.constant 0 : i32
      %dma_start3A_112 = tpu.memref_slice %arg6[%dma_start3A_108, %dma_start3A_109, %dma_start3A_110, %dma_start3A_111] : memref<2x2x128x128xf32, #tpu.memory_space<vmem>> -> memref<1x2x128x128xf32, #tpu.memory_space<vmem>>
      %dma_start3A_113 = tpu.memref_squeeze %dma_start3A_112 : memref<1x2x128x128xf32, #tpu.memory_space<vmem>> -> memref<2x128x128xf32, #tpu.memory_space<vmem>>
      %dma_start3A_114 = arith.constant 0 : i32
      %dma_start3A_115 = tpu.memref_slice %arg4[%multiple_of3A_107, %multiple_of3A, %dma_start3A_114] : memref<200x4096x128xf32, #tpu.memory_space<hbm>> -> memref<2x128x128xf32, #tpu.memory_space<hbm>>
      %dma_start3A_116 = arith.constant 0 : i32
      %dma_start3A_117 = tpu.memref_slice %arg4[%multiple_of3A_107, %multiple_of3A, %dma_start3A_116] : memref<200x4096x128xf32, #tpu.memory_space<hbm>> -> memref<2x128x128xf32, #tpu.memory_space<hbm>>
      %dma_start3A_118 = arith.constant 0 : i32
      %dma_start3A_119 = arith.constant 0 : i32
      %dma_start3A_120 = arith.constant 0 : i32
      %dma_start3A_121 = tpu.memref_slice %arg6[%dma_start3A_108, %dma_start3A_118, %dma_start3A_119, %dma_start3A_120] : memref<2x2x128x128xf32, #tpu.memory_space<vmem>> -> memref<1x2x128x128xf32, #tpu.memory_space<vmem>>
      %dma_start3A_122 = tpu.memref_squeeze %dma_start3A_121 : memref<1x2x128x128xf32, #tpu.memory_space<vmem>> -> memref<2x128x128xf32, #tpu.memory_space<vmem>>
      tpu.enqueue_dma source(%dma_start3A_122 : memref<2x128x128xf32, #tpu.memory_space<vmem>>) target(%dma_start3A_117 : memref<2x128x128xf32, #tpu.memory_space<hbm>>) target_semaphore(%arg9 : memref<!tpu.dma_semaphore, #tpu.memory_space<semaphore_mem>>)
      %mul3A_123 = arith.constant 2 : i32
      %mul3A_124 = arith.muli %mul3A_123, %scan3A_70 : i32
      %add3A_125 = arith.constant 1 : i32
      %add3A_126 = arith.addi %mul3A_124, %add3A_125 : i32
      %add3A_127 = arith.constant 1 : i32
      %add3A_128 = arith.addi %add3A_126, %add3A_127 : i32
      %lt3A_129 = arith.constant 100 : i32
      %lt3A_130 = arith.cmpi slt, %add3A_128, %lt3A_129 : i32
      %convert_element_type3A_131 = arith.extui %lt3A_130 : i1 to i32
      %cond3A_132 = arith.constant 0 : i32
      %cond3A_133 = arith.cmpi ne, %convert_element_type3A_131, %cond3A_132 : i32
      scf.if %cond3A_133 {
        %ge3A = arith.constant 1 : i32
        %ge3A_178 = arith.cmpi sge, %add3A_126, %ge3A : i32
        %convert_element_type3A_179 = arith.extui %ge3A_178 : i1 to i32
        %cond3A_180 = arith.constant 0 : i32
        %cond3A_181 = arith.cmpi ne, %convert_element_type3A_179, %cond3A_180 : i32
        scf.if %cond3A_181 {
          %dma_wait3A_216 = arith.constant 0 : i32
          %dma_wait3A_217 = arith.constant 0 : i32
          %dma_wait3A_218 = arith.constant 0 : i32
          %dma_wait3A_219 = arith.constant 0 : i32
          %dma_wait3A_220 = tpu.memref_slice %arg6[%dma_wait3A_216, %dma_wait3A_217, %dma_wait3A_218, %dma_wait3A_219] : memref<2x2x128x128xf32, #tpu.memory_space<vmem>> -> memref<1x2x128x128xf32, #tpu.memory_space<vmem>>
          %dma_wait3A_221 = tpu.memref_squeeze %dma_wait3A_220 : memref<1x2x128x128xf32, #tpu.memory_space<vmem>> -> memref<2x128x128xf32, #tpu.memory_space<vmem>>
          %dma_wait3A_222 = arith.constant 0 : i32
          %dma_wait3A_223 = arith.constant 0 : i32
          %dma_wait3A_224 = arith.constant 0 : i32
          %dma_wait3A_225 = tpu.memref_slice %arg4[%dma_wait3A_222, %dma_wait3A_223, %dma_wait3A_224] : memref<200x4096x128xf32, #tpu.memory_space<hbm>> -> memref<2x128x128xf32, #tpu.memory_space<hbm>>
          %dma_wait3A_226 = arith.constant 0 : i32
          %dma_wait3A_227 = arith.constant 0 : i32
          %dma_wait3A_228 = arith.constant 0 : i32
          %dma_wait3A_229 = tpu.memref_slice %arg4[%dma_wait3A_226, %dma_wait3A_227, %dma_wait3A_228] : memref<200x4096x128xf32, #tpu.memory_space<hbm>> -> memref<2x128x128xf32, #tpu.memory_space<hbm>>
          %dma_wait3A_230 = arith.constant 0 : i32
          %dma_wait3A_231 = arith.constant 0 : i32
          %dma_wait3A_232 = arith.constant 0 : i32
          %dma_wait3A_233 = tpu.memref_slice %arg6[%dma_wait3A_216, %dma_wait3A_230, %dma_wait3A_231, %dma_wait3A_232] : memref<2x2x128x128xf32, #tpu.memory_space<vmem>> -> memref<1x2x128x128xf32, #tpu.memory_space<vmem>>
          %dma_wait3A_234 = tpu.memref_squeeze %dma_wait3A_233 : memref<1x2x128x128xf32, #tpu.memory_space<vmem>> -> memref<2x128x128xf32, #tpu.memory_space<vmem>>
          tpu.wait_dma2 semaphore(%arg9 : memref<!tpu.dma_semaphore, #tpu.memory_space<semaphore_mem>>) src(%dma_wait3A_234 : memref<2x128x128xf32, #tpu.memory_space<vmem>>) dst(%dma_wait3A_229 : memref<2x128x128xf32, #tpu.memory_space<hbm>>)
        } else {
        }
        %add3A_182 = arith.constant 1 : i32
        %add3A_183 = arith.addi %add3A_126, %add3A_182 : i32
        %mul3A_184 = arith.constant 2 : i32
        %mul3A_185 = arith.muli %mul3A_184, %add3A_183 : i32
        %add3A_186 = arith.constant 0 : i32
        %add3A_187 = arith.addi %mul3A_185, %add3A_186 : i32
        %dma_start3A_188 = arith.constant 0 : i32
        %dma_start3A_189 = arith.constant 0 : i32
        %dma_start3A_190 = arith.constant 0 : i32
        %dma_start3A_191 = arith.constant 0 : i32
        %dma_start3A_192 = tpu.memref_slice %arg6[%dma_start3A_188, %dma_start3A_189, %dma_start3A_190, %dma_start3A_191] : memref<2x2x128x128xf32, #tpu.memory_space<vmem>> -> memref<1x1x128x128xf32, #tpu.memory_space<vmem>>
        %dma_start3A_193 = tpu.memref_squeeze %dma_start3A_192 : memref<1x1x128x128xf32, #tpu.memory_space<vmem>> -> memref<128x128xf32, #tpu.memory_space<vmem>>
        %dma_start3A_194 = arith.constant 0 : i32
        %dma_start3A_195 = tpu.memref_slice %arg5[%add3A_187, %dma_start3A_194] : memref<200x128xi32, #tpu.memory_space<vmem>> -> memref<1x128xi32, #tpu.memory_space<vmem>>
        %dma_start3A_196 = tpu.memref_squeeze %dma_start3A_195 : memref<1x128xi32, #tpu.memory_space<vmem>> -> memref<128xi32, #tpu.memory_space<vmem>>
        %dma_start3A_197 = arith.constant 0 : i32
        %dma_start3A_198 = arith.constant 0 : i32
        %dma_start3A_199 = tpu.memref_slice %arg2[%dma_start3A_197, %dma_start3A_198] : memref<1000000x128xf32, #tpu.memory_space<hbm>> -> memref<1000000x128xf32, #tpu.memory_space<hbm>>
        tpu.enqueue_indirect_dma source(%dma_start3A_199 : memref<1000000x128xf32, #tpu.memory_space<hbm>>) target(%dma_start3A_193 : memref<128x128xf32, #tpu.memory_space<vmem>>) offsets(%dma_start3A_196 : memref<128xi32, #tpu.memory_space<vmem>>) semaphore(%arg7 : memref<!tpu.dma_semaphore, #tpu.memory_space<semaphore_mem>>)
        %mul3A_200 = arith.constant 2 : i32
        %mul3A_201 = arith.muli %mul3A_200, %add3A_183 : i32
        %add3A_202 = arith.constant 1 : i32
        %add3A_203 = arith.addi %mul3A_201, %add3A_202 : i32
        %dma_start3A_204 = arith.constant 0 : i32
        %dma_start3A_205 = arith.constant 1 : i32
        %dma_start3A_206 = arith.constant 0 : i32
        %dma_start3A_207 = arith.constant 0 : i32
        %dma_start3A_208 = tpu.memref_slice %arg6[%dma_start3A_204, %dma_start3A_205, %dma_start3A_206, %dma_start3A_207] : memref<2x2x128x128xf32, #tpu.memory_space<vmem>> -> memref<1x1x128x128xf32, #tpu.memory_space<vmem>>
        %dma_start3A_209 = tpu.memref_squeeze %dma_start3A_208 : memref<1x1x128x128xf32, #tpu.memory_space<vmem>> -> memref<128x128xf32, #tpu.memory_space<vmem>>
        %dma_start3A_210 = arith.constant 0 : i32
        %dma_start3A_211 = tpu.memref_slice %arg5[%add3A_203, %dma_start3A_210] : memref<200x128xi32, #tpu.memory_space<vmem>> -> memref<1x128xi32, #tpu.memory_space<vmem>>
        %dma_start3A_212 = tpu.memref_squeeze %dma_start3A_211 : memref<1x128xi32, #tpu.memory_space<vmem>> -> memref<128xi32, #tpu.memory_space<vmem>>
        %dma_start3A_213 = arith.constant 0 : i32
        %dma_start3A_214 = arith.constant 0 : i32
        %dma_start3A_215 = tpu.memref_slice %arg2[%dma_start3A_213, %dma_start3A_214] : memref<1000000x128xf32, #tpu.memory_space<hbm>> -> memref<1000000x128xf32, #tpu.memory_space<hbm>>
        tpu.enqueue_indirect_dma source(%dma_start3A_215 : memref<1000000x128xf32, #tpu.memory_space<hbm>>) target(%dma_start3A_209 : memref<128x128xf32, #tpu.memory_space<vmem>>) offsets(%dma_start3A_212 : memref<128xi32, #tpu.memory_space<vmem>>) semaphore(%arg7 : memref<!tpu.dma_semaphore, #tpu.memory_space<semaphore_mem>>)
      } else {
      }
      %dma_wait3A_134 = arith.constant 0 : i32
      %dma_wait3A_135 = arith.constant 1 : i32
      %dma_wait3A_136 = arith.constant 0 : i32
      %dma_wait3A_137 = arith.constant 0 : i32
      %dma_wait3A_138 = arith.constant 0 : i32
      %dma_wait3A_139 = tpu.memref_slice %arg6[%dma_wait3A_135, %dma_wait3A_136, %dma_wait3A_137, %dma_wait3A_138] : memref<2x2x128x128xf32, #tpu.memory_space<vmem>> -> memref<1x1x128x128xf32, #tpu.memory_space<vmem>>
      %dma_wait3A_140 = tpu.memref_squeeze %dma_wait3A_139 : memref<1x1x128x128xf32, #tpu.memory_space<vmem>> -> memref<128x128xf32, #tpu.memory_space<vmem>>
      %dma_wait3A_141 = arith.constant 0 : i32
      %dma_wait3A_142 = tpu.memref_slice %arg5[%dma_wait3A_134, %dma_wait3A_141] : memref<200x128xi32, #tpu.memory_space<vmem>> -> memref<1x128xi32, #tpu.memory_space<vmem>>
      %dma_wait3A_143 = tpu.memref_squeeze %dma_wait3A_142 : memref<1x128xi32, #tpu.memory_space<vmem>> -> memref<128xi32, #tpu.memory_space<vmem>>
      %dma_wait3A_144 = arith.constant 0 : i32
      %dma_wait3A_145 = arith.constant 0 : i32
      %dma_wait3A_146 = tpu.memref_slice %arg2[%dma_wait3A_144, %dma_wait3A_145] : memref<1000000x128xf32, #tpu.memory_space<hbm>> -> memref<1000000x128xf32, #tpu.memory_space<hbm>>
      tpu.wait_indirect_dma semaphore(%arg8 : memref<!tpu.dma_semaphore, #tpu.memory_space<semaphore_mem>>) src(%dma_wait3A_146 : memref<1000000x128xf32, #tpu.memory_space<hbm>>) dst(%dma_wait3A_140 : memref<128x128xf32, #tpu.memory_space<vmem>>)
      %dma_wait3A_147 = arith.constant 0 : i32
      %dma_wait3A_148 = arith.constant 1 : i32
      %dma_wait3A_149 = arith.constant 1 : i32
      %dma_wait3A_150 = arith.constant 0 : i32
      %dma_wait3A_151 = arith.constant 0 : i32
      %dma_wait3A_152 = tpu.memref_slice %arg6[%dma_wait3A_148, %dma_wait3A_149, %dma_wait3A_150, %dma_wait3A_151] : memref<2x2x128x128xf32, #tpu.memory_space<vmem>> -> memref<1x1x128x128xf32, #tpu.memory_space<vmem>>
      %dma_wait3A_153 = tpu.memref_squeeze %dma_wait3A_152 : memref<1x1x128x128xf32, #tpu.memory_space<vmem>> -> memref<128x128xf32, #tpu.memory_space<vmem>>
      %dma_wait3A_154 = arith.constant 0 : i32
      %dma_wait3A_155 = tpu.memref_slice %arg5[%dma_wait3A_147, %dma_wait3A_154] : memref<200x128xi32, #tpu.memory_space<vmem>> -> memref<1x128xi32, #tpu.memory_space<vmem>>
      %dma_wait3A_156 = tpu.memref_squeeze %dma_wait3A_155 : memref<1x128xi32, #tpu.memory_space<vmem>> -> memref<128xi32, #tpu.memory_space<vmem>>
      %dma_wait3A_157 = arith.constant 0 : i32
      %dma_wait3A_158 = arith.constant 0 : i32
      %dma_wait3A_159 = tpu.memref_slice %arg2[%dma_wait3A_157, %dma_wait3A_158] : memref<1000000x128xf32, #tpu.memory_space<hbm>> -> memref<1000000x128xf32, #tpu.memory_space<hbm>>
      tpu.wait_indirect_dma semaphore(%arg8 : memref<!tpu.dma_semaphore, #tpu.memory_space<semaphore_mem>>) src(%dma_wait3A_159 : memref<1000000x128xf32, #tpu.memory_space<hbm>>) dst(%dma_wait3A_153 : memref<128x128xf32, #tpu.memory_space<vmem>>)
      %mul3A_160 = arith.constant 2 : i32
      %mul3A_161 = arith.muli %mul3A_160, %add3A_126 : i32
      %multiple_of3A_162 = tpu.assume_multiple %mul3A_161, 2 : i32
      %dma_start3A_163 = arith.constant 1 : i32
      %dma_start3A_164 = arith.constant 0 : i32
      %dma_start3A_165 = arith.constant 0 : i32
      %dma_start3A_166 = arith.constant 0 : i32
      %dma_start3A_167 = tpu.memref_slice %arg6[%dma_start3A_163, %dma_start3A_164, %dma_start3A_165, %dma_start3A_166] : memref<2x2x128x128xf32, #tpu.memory_space<vmem>> -> memref<1x2x128x128xf32, #tpu.memory_space<vmem>>
      %dma_start3A_168 = tpu.memref_squeeze %dma_start3A_167 : memref<1x2x128x128xf32, #tpu.memory_space<vmem>> -> memref<2x128x128xf32, #tpu.memory_space<vmem>>
      %dma_start3A_169 = arith.constant 0 : i32
      %dma_start3A_170 = tpu.memref_slice %arg4[%multiple_of3A_162, %multiple_of3A, %dma_start3A_169] : memref<200x4096x128xf32, #tpu.memory_space<hbm>> -> memref<2x128x128xf32, #tpu.memory_space<hbm>>
      %dma_start3A_171 = arith.constant 0 : i32
      %dma_start3A_172 = tpu.memref_slice %arg4[%multiple_of3A_162, %multiple_of3A, %dma_start3A_171] : memref<200x4096x128xf32, #tpu.memory_space<hbm>> -> memref<2x128x128xf32, #tpu.memory_space<hbm>>
      %dma_start3A_173 = arith.constant 0 : i32
      %dma_start3A_174 = arith.constant 0 : i32
      %dma_start3A_175 = arith.constant 0 : i32
      %dma_start3A_176 = tpu.memref_slice %arg6[%dma_start3A_163, %dma_start3A_173, %dma_start3A_174, %dma_start3A_175] : memref<2x2x128x128xf32, #tpu.memory_space<vmem>> -> memref<1x2x128x128xf32, #tpu.memory_space<vmem>>
      %dma_start3A_177 = tpu.memref_squeeze %dma_start3A_176 : memref<1x2x128x128xf32, #tpu.memory_space<vmem>> -> memref<2x128x128xf32, #tpu.memory_space<vmem>>
      tpu.enqueue_dma source(%dma_start3A_177 : memref<2x128x128xf32, #tpu.memory_space<vmem>>) target(%dma_start3A_172 : memref<2x128x128xf32, #tpu.memory_space<hbm>>) target_semaphore(%arg10 : memref<!tpu.dma_semaphore, #tpu.memory_space<semaphore_mem>>)
    }
    %scan3A_32 = arith.constant 50 : i32
    %dma_wait3A = arith.constant 0 : i32
    %dma_wait3A_33 = arith.constant 0 : i32
    %dma_wait3A_34 = arith.constant 0 : i32
    %dma_wait3A_35 = arith.constant 0 : i32
    %dma_wait3A_36 = tpu.memref_slice %arg6[%dma_wait3A, %dma_wait3A_33, %dma_wait3A_34, %dma_wait3A_35] : memref<2x2x128x128xf32, #tpu.memory_space<vmem>> -> memref<1x2x128x128xf32, #tpu.memory_space<vmem>>
    %dma_wait3A_37 = tpu.memref_squeeze %dma_wait3A_36 : memref<1x2x128x128xf32, #tpu.memory_space<vmem>> -> memref<2x128x128xf32, #tpu.memory_space<vmem>>
    %dma_wait3A_38 = arith.constant 0 : i32
    %dma_wait3A_39 = arith.constant 0 : i32
    %dma_wait3A_40 = arith.constant 0 : i32
    %dma_wait3A_41 = tpu.memref_slice %arg4[%dma_wait3A_38, %dma_wait3A_39, %dma_wait3A_40] : memref<200x4096x128xf32, #tpu.memory_space<hbm>> -> memref<2x128x128xf32, #tpu.memory_space<hbm>>
    %dma_wait3A_42 = arith.constant 0 : i32
    %dma_wait3A_43 = arith.constant 0 : i32
    %dma_wait3A_44 = arith.constant 0 : i32
    %dma_wait3A_45 = tpu.memref_slice %arg4[%dma_wait3A_42, %dma_wait3A_43, %dma_wait3A_44] : memref<200x4096x128xf32, #tpu.memory_space<hbm>> -> memref<2x128x128xf32, #tpu.memory_space<hbm>>
    %dma_wait3A_46 = arith.constant 0 : i32
    %dma_wait3A_47 = arith.constant 0 : i32
    %dma_wait3A_48 = arith.constant 0 : i32
    %dma_wait3A_49 = tpu.memref_slice %arg6[%dma_wait3A, %dma_wait3A_46, %dma_wait3A_47, %dma_wait3A_48] : memref<2x2x128x128xf32, #tpu.memory_space<vmem>> -> memref<1x2x128x128xf32, #tpu.memory_space<vmem>>
    %dma_wait3A_50 = tpu.memref_squeeze %dma_wait3A_49 : memref<1x2x128x128xf32, #tpu.memory_space<vmem>> -> memref<2x128x128xf32, #tpu.memory_space<vmem>>
    tpu.wait_dma2 semaphore(%arg9 : memref<!tpu.dma_semaphore, #tpu.memory_space<semaphore_mem>>) src(%dma_wait3A_50 : memref<2x128x128xf32, #tpu.memory_space<vmem>>) dst(%dma_wait3A_45 : memref<2x128x128xf32, #tpu.memory_space<hbm>>)
    %dma_wait3A_51 = arith.constant 1 : i32
    %dma_wait3A_52 = arith.constant 0 : i32
    %dma_wait3A_53 = arith.constant 0 : i32
    %dma_wait3A_54 = arith.constant 0 : i32
    %dma_wait3A_55 = tpu.memref_slice %arg6[%dma_wait3A_51, %dma_wait3A_52, %dma_wait3A_53, %dma_wait3A_54] : memref<2x2x128x128xf32, #tpu.memory_space<vmem>> -> memref<1x2x128x128xf32, #tpu.memory_space<vmem>>
    %dma_wait3A_56 = tpu.memref_squeeze %dma_wait3A_55 : memref<1x2x128x128xf32, #tpu.memory_space<vmem>> -> memref<2x128x128xf32, #tpu.memory_space<vmem>>
    %dma_wait3A_57 = arith.constant 0 : i32
    %dma_wait3A_58 = arith.constant 0 : i32
    %dma_wait3A_59 = arith.constant 0 : i32
    %dma_wait3A_60 = tpu.memref_slice %arg4[%dma_wait3A_57, %dma_wait3A_58, %dma_wait3A_59] : memref<200x4096x128xf32, #tpu.memory_space<hbm>> -> memref<2x128x128xf32, #tpu.memory_space<hbm>>
    %dma_wait3A_61 = arith.constant 0 : i32
    %dma_wait3A_62 = arith.constant 0 : i32
    %dma_wait3A_63 = arith.constant 0 : i32
    %dma_wait3A_64 = tpu.memref_slice %arg4[%dma_wait3A_61, %dma_wait3A_62, %dma_wait3A_63] : memref<200x4096x128xf32, #tpu.memory_space<hbm>> -> memref<2x128x128xf32, #tpu.memory_space<hbm>>
    %dma_wait3A_65 = arith.constant 0 : i32
    %dma_wait3A_66 = arith.constant 0 : i32
    %dma_wait3A_67 = arith.constant 0 : i32
    %dma_wait3A_68 = tpu.memref_slice %arg6[%dma_wait3A_51, %dma_wait3A_65, %dma_wait3A_66, %dma_wait3A_67] : memref<2x2x128x128xf32, #tpu.memory_space<vmem>> -> memref<1x2x128x128xf32, #tpu.memory_space<vmem>>
    %dma_wait3A_69 = tpu.memref_squeeze %dma_wait3A_68 : memref<1x2x128x128xf32, #tpu.memory_space<vmem>> -> memref<2x128x128xf32, #tpu.memory_space<vmem>>
    tpu.wait_dma2 semaphore(%arg10 : memref<!tpu.dma_semaphore, #tpu.memory_space<semaphore_mem>>) src(%dma_wait3A_69 : memref<2x128x128xf32, #tpu.memory_space<vmem>>) dst(%dma_wait3A_64 : memref<2x128x128xf32, #tpu.memory_space<hbm>>)
    return
  }
}

</mosaic_0001>

<sc_bundles>
// kernel: kernel.3.cloned.1.call-start
scs
__scs_entry_jumppad:
0x0: {  	(pc) =	sbr.rel $0x88, $3  }
0x1: {  	(tag) =	ssettag $0x0;
	lr =	simm.s32 $0x1  }
0x2: {  	[smem:$0x3F9F] =	sst lr;
	_ =	strace $0xD0000000  }
0x3: {  	_ = 	snop  }
0x4: {  	_ = 	snop  }
0x5: {  	_ = 	snop  }
0x6: {  	_ = 	snop  }
0x7: {  	_ = 	snop  }
__scs_overlays_trampoline_lowered:
0x8: {  	[smem:$0x3FAE] =	sst s0  }
0x9: {  	[smem:$0x3FAF] =	sst s1  }
0xa: {  	[smem:$0x3FB0] =	sst s2  }
0xb: {  	[smem:$0x3FB1] =	sst s3  }
0xc: {  	[smem:$0x3FB2] =	sst s4  }
0xd: {  	[smem:$0x3FB3] =	sst s5  }
0xe: {  	[smem:$0x3FB4] =	sst s6  }
0xf: {  	[smem:$0x3FB5] =	sst s7  }
0x10: {  	[smem:$0x3FB6] =	sst s8  }
0x11: {  	[smem:$0x3FB7] =	sst s9;
	s0 =	simm.s32 @!p0 $0x0  }
0x12: {  	s1 =	sld [smem:$0x3F9D];
	s0 =	simm.s32 @p0 $0x1  }
0x13: {  	[smem:$0x3FB8] =	sst s0;
	s0 =	simm.s32 @!p1 $0x0  }
0x14: {  	s2 =	sld [smem:$0x3F9C];
	s0 =	simm.s32 @p1 $0x1  }
0x15: {  	[smem:$0x3FB9] =	sst s0;
	s0 =	simm.s32 @!p2 $0x0  }
0x16: {  	s3 =	sld [smem:$0x3FDB];
	s0 =	simm.s32 @p2 $0x1  }
0x17: {  	s4 =	simm.s32 $0x1BF5;
	[smem:$0x3FBB] =	sst s0  }
0x18: {  	s0 =	sld [smem:$0x3F9E];
	_ =	swait.ge [sflag:s4], $0x0  }
0x19: {  	s7 =	sld [smem:$0x3F9F]  }
0x1a: {  	s8 =	sadd.s32 $0xFFFFE003, lr  }
0x1b: {  	s9 =	sadd.s32 $0xFFFFFEF7, lr;
	s5 =	simm.s32 $0xFFFFFFFF;
	p2 =	slt.u32 s8, $0xFFFFF086  }
0x1c: {  	p1 =	slt.u32 s9, $0xF7A;
	s5 =	simm.s32 @!p2 $0x0  }
0x1d: {  	s5 =	simm.s32 @p1 $0x1;
	p0 =	seq.s32 s7, s2  }
0x1e: {  	s7 =	smul.u32 @!p0 $0xF7A, s2;
	p2 =	seq.s32 @!p0 s5, $0x0  }
0x1f: {  	s9 =	smul.u32 $0xF7A, s1;
	s8 =	simm.s32 @!p0 $0x1BF5;
	p2 =	por !p2, p0  }
0x20: {  	[sflag:s8] =	ssyncset.s32 @!p0 $0xFFFFF086;
	s6 =	sadd.s32 @!p0 s3, s7;
	s7 =	simm.s32 @!p0 $0x108  }
0x21: {  	s3 =	sadd.s32 s3, s9;
	s6 =	sadd.s32 @!p0 $0x88, s6;
	s7 =	simm.s32 @p2 $0x1082  }
0x22: {  	[simem:s7], [sflag:s8] =	dma.local @!p0 [hbm:s6], $0xF7A  }
0x23: {  	s9 =	sor.u32 $0xD0000000, s2;
	s6 =	simm.s32 $0x108;
	_ =	swait.ge @!p0 [sflag:s8], $0x0  }
0x24: {  	s3 =	sadd.s32 $0x88, s3;
	s6 =	simm.s32 @!p1 $0x1082;
	[sflag:s4] =	ssyncset.s32 $0xFFFFF086  }
0x25: {  	[simem:s6], [sflag:s4] =	dma.local [hbm:s3], $0xF7A  }
0x26: {  	[smem:$0x3F9F] =	sst s1;
	(tag) =	ssettag s2;
	_ =	strace s9  }
0x27: {  	s1 =	sld [smem:$0x3FAF]  }
0x28: {  	s2 =	sld [smem:$0x3FB0]  }
0x29: {  	s4 =	sld [smem:$0x3FB2]  }
0x2a: {  	p0 =	seq.s32 s5, $0x0;
	s5 =	sld [smem:$0x3FB3]  }
0x2b: {  	s6 =	sld [smem:$0x3FB4]  }
0x2c: {  	s7 =	sld [smem:$0x3FB5]  }
0x2d: {  	s3 =	simm.s32 $0x108;
	s8 =	sld [smem:$0x3FB6]  }
0x2e: {  	s3 =	simm.s32 @!p0 $0x1082;
	s9 =	sld [smem:$0x3FB7]  }
0x2f: {  	lr =	sadd.s32 s0, s3;
	s0 =	sld [smem:$0x3FAE]  }
0x30: {  	s3 =	sld [smem:$0x3FB1]  }
0x31: {  	[smem:$0x3FBA] =	sst s10  }
0x32: {  	s10 =	sld [smem:$0x3FB8];
	_ =	sdelay $0x3  }
0x33: {  	p0 =	seq.s32 s10, $0x1;
	s10 =	sld [smem:$0x3FBA];
	_ =	sdelay $0x3  }
0x34: {  	[smem:$0x3FBA] =	sst s10  }
0x35: {  	s10 =	sld [smem:$0x3FB9];
	_ =	sdelay $0x3  }
0x36: {  	p1 =	seq.s32 s10, $0x1;
	s10 =	sld [smem:$0x3FBA];
	_ =	sdelay $0x3  }
0x37: {  	[smem:$0x3FBA] =	sst s10  }
0x38: {  	s10 =	sld [smem:$0x3FBB]  }
0x39: {  	_ = 	snop;
	(pc) =	sbr.ind lr, $3  }
0x3a: {  	_ = 	snop  }
0x3b: {  	_ = 	snop  }
0x3c: {  	p2 =	seq.s32 s10, $0x1;
	s10 =	sld [smem:$0x3FBA]  }
0x3d: {  	_ =	shalt  }
0x3e: {  	_ =	shalt  }
0x3f: {  	_ =	shalt  }
0x40: {  	_ =	shalt  }
0x41: {  	_ =	shalt  }
0x42: {  	_ =	shalt  }
0x43: {  	_ =	shalt  }
0x44: {  	_ =	shalt  }
0x45: {  	_ =	shalt  }
0x46: {  	_ =	shalt  }
0x47: {  	_ =	shalt  }
0x48: {  	_ =	shalt  }
0x49: {  	_ =	shalt  }
0x4a: {  	_ =	shalt  }
0x4b: {  	_ =	shalt  }
0x4c: {  	_ =	shalt  }
0x4d: {  	_ =	shalt  }
0x4e: {  	_ =	shalt  }
0x4f: {  	_ =	shalt  }
0x50: {  	_ =	shalt  }
0x51: {  	_ =	shalt  }
0x52: {  	_ =	shalt  }
0x53: {  	_ =	shalt  }
0x54: {  	_ =	shalt  }
0x55: {  	_ =	shalt  }
0x56: {  	_ =	shalt  }
0x57: {  	_ =	shalt  }
0x58: {  	_ =	shalt  }
0x59: {  	_ =	shalt  }
0x5a: {  	_ =	shalt  }
0x5b: {  	_ =	shalt  }
0x5c: {  	_ =	shalt  }
0x5d: {  	_ =	shalt  }
0x5e: {  	_ =	shalt  }
0x5f: {  	_ =	shalt  }
0x60: {  	_ =	shalt  }
0x61: {  	_ =	shalt  }
0x62: {  	_ =	shalt  }
0x63: {  	_ =	shalt  }
0x64: {  	_ =	shalt  }
0x65: {  	_ =	shalt  }
0x66: {  	_ =	shalt  }
0x67: {  	_ =	shalt  }
0x68: {  	_ =	shalt  }
0x69: {  	_ =	shalt  }
0x6a: {  	_ =	shalt  }
0x6b: {  	_ =	shalt  }
0x6c: {  	_ =	shalt  }
0x6d: {  	_ =	shalt  }
0x6e: {  	_ =	shalt  }
0x6f: {  	_ =	shalt  }
0x70: {  	_ =	shalt  }
0x71: {  	_ =	shalt  }
0x72: {  	_ =	shalt  }
0x73: {  	_ =	shalt  }
0x74: {  	_ =	shalt  }
0x75: {  	_ =	shalt  }
0x76: {  	_ =	shalt  }
0x77: {  	_ =	shalt  }
0x78: {  	_ =	shalt  }
0x79: {  	_ =	shalt  }
0x7a: {  	_ =	shalt  }
0x7b: {  	_ =	shalt  }
0x7c: {  	_ =	shalt  }
0x7d: {  	_ =	shalt  }
0x7e: {  	_ =	shalt  }
0x7f: {  	_ =	shalt  }
0x80: {  	_ =	shalt  }
0x81: {  	_ =	shalt  }
0x82: {  	_ =	shalt  }
0x83: {  	_ =	shalt  }
0x84: {  	_ =	shalt  }
0x85: {  	_ =	shalt  }
0x86: {  	_ =	shalt  }
0x87: {  	_ =	shalt  }
.Lfunc_end0:
.L_simem_size_0:
called_computation.1_lowered:
.L_overlay_start_0:
0x88: {  	s2 =	sld [smem:$0x3FD9]  }
0x89: {  	s3 =	sld [smem:$0x3FFE];
	_ =	sdelay $0x1  }
0x8a: {  	s1 =	srdreg.scid  }
0x8b: {  	s0 =	sand.u32 $0x1, s1  }
0x8c: {  	s17 =	sshll.u32 s0, $0xA;
	s2 =	sadd.s32 s3, s2  }
0x8d: {  	s2 =	sadd.s32 s2, s17  }
0x8e: {  	[smem:$0x3FC6] =	sst s2  }
0x8f: {  	_ = 	snop  }
0x90: {  	s2 =	sld [smem:$0x3FC9];
	(tm) =	ssettm $0x1  }
0x91: {  	s18 =	sld [smem:$0x3FFB];
	_ =	sdelay $0x3  }
0x92: {  	_ =	strace s18  }
0x93: {  	s3 =	sld [smem:$0x3FFC];
	_ =	sdelay $0x3  }
0x94: {  	_ =	strace s3  }
0x95: {  	s3 =	sld [smem:$0x3FFD];
	_ =	sdelay $0x3  }
0x96: {  	_ =	strace s3  }
0x97: {  	_ =	strace $0x8FFFFFFF  }
0x98: {  	s19 =	sld [smem:$0x3FDB];
	_ =	sdelay $0x1  }
0x99: {  	s4 =	simm.s32 $_scs_section_size  }
0x9a: {  	s5 =	simm.s32 $_size__tile_overlayer_lowered;
	s6 =	simm.s32 $_tile_overlayer_lowered  }
0x9b: {  	s22 =	simm.s32 $0x1BFF;
	s21 =	sshll.u32 s6, $0x1;
	s3 =	sadd.s32 s4, s19  }
0x9c: {  	s7 =	simm.s32 $0x0;
	s20 =	sshll.u32 s5, $0x1;
	s5 =	sadd.s32 s21, s3  }
0x9d: {  	[timem:s7], [sflag:s22] =	dma.local [hbm:s5], s20  }
0x9e: {  	_ =	swait.ge [sflag:s22], s20  }
0x9f: {  	s4 =	ssub.s32 $0x0, s20;
	[sflag:s22] =	ssyncset.done $0x0  }
0xa0: {  	[sflag:s22] =	ssyncadd.s32 s4;
	_ =	sdelay $0x1  }
0xa1: {  	s23 =	simm.s32 $0x1B8B  }
0xa2: {  	_ =	swait.ge [sflag:s23], $0x1  }
0xa3: {  	[sflag:s23] =	ssyncset.done $0x0  }
0xa4: {  	s25 =	simm.s32 $0x1B8E;
	s24 =	sld [smem:$0x3FFE];
	[sflag:s23] =	ssyncadd.s32 $0xFFFFFFFF  }
0xa5: {  	s26 =	simm.s32 $execute0_lowered;
	[smem:$0x3FD2] =	sst s25  }
0xa6: {  	s5 =	sshll.u32 s26, $0x1;
	_ =	strace $0x80000046;
	[dreg:$0x1] =	wrdreg $0xFFFFFFFF  }
0xa7: {  	s28 =	simm.s32 $_size_execute0_lowered;
	s3 =	sadd.s32 s3, s5;
	[dreg:$0x0] =	wrdreg $0x0  }
0xa8: {  	s5 =	sshll.u32 s28, $0x1;
	[dreg:$0x2] =	wrdreg s3  }
0xa9: {  	[dreg:$0x3] =	wrdreg s5  }
0xaa: {  	[dreg:$0x4] =	wrdreg $0xC0  }
0xab: {  	_ =	task [dreg:s7], $0x5FFFF  }
0xac: {  	[dreg:$0x1] =	wrdreg $0xFFFFFFFF  }
0xad: {  	[dreg:$0x0] =	wrdreg $0x60  }
0xae: {  	[dreg:$0x2] =	wrdreg s24  }
0xaf: {  	[dreg:$0x3] =	wrdreg s2  }
0xb0: {  	[dreg:$0x4] =	wrdreg $0x9  }
0xb1: {  	_ =	task.clear_ibuf [dreg:s7], $0x5FFFF;
	_ =	strace $0x90000046  }
0xb2: {  	s29 =	simm.s32 $0x9;
	_ =	strace $0x80000048  }
0xb3: {  	_ =	swait.ge [sflag:s29], $0x1  }
0xb4: {  	[sflag:s29] =	ssyncadd.s32 $0xFFFFFFFF  }
0xb5: {  	_ =	strace $0x90000048  }
0xb6: {  	_ =	sfence  }
0xb7: {  	s30 =	sld [smem:$0x0];
	_ =	sdelay $0x2  }
0xb8: {  	s31 =	sshll.u32 s1, $0xD;
	s1 =	sshrl.u32 s1, $0x2  }
0xb9: {  	s3 =	sand.u32 $0x4000, s31;
	s1 =	sadd.s32 s1, s30  }
0xba: {  	s0 =	sor.u32 s3, s0;
	s1 =	sshll.u32 s1, $0x11  }
0xbb: {  	s0 =	sor.u32 s1, s0  }
0xbc: {  	s0 =	sadd.s32 $0x8F2B, s0  }
0xbd: {  	[sflag:s0] =	ssyncadd.remote.s32 $0x1  }
0xbe: {  	_ =	sfence.sel $0xFFFF  }
0xbf: {  	[dreg:$0x0] =	wrdreg $0xFFFFFFFF;
	(pc) =	sbr.abs _section_cstart, $3  }
0xc0: {  	[dreg:$0x1] =	wrdreg $0xFFFFFFFF  }
0xc1: {  	_ =	task.clear_ibuf [dreg:s7], $0x2FFFF;
	_ =	strace $0x9FFFFFFF  }
0xc2: {  	(tm) =	ssettm $0x7FFFFFFF  }
0xc3: {  	_ =	shalt  }
tec
execute0_lowered:
.L_overlay_start_1:
0x0: {  	(tag) =	ssettag $0x1  }
0x1: {  	s0 =	rddreg [dreg:$0x0]  }
0x2: {  	s2 =	rddreg [dreg:$0x1]  }
0x3: {  	s1 =	simm.s32 $0x0;
	s3 =	srdreg.scid;
	s8 =	stileid.u32  }
0x4: {  	s15 =	simm.s32 $0x5;
	s16 =	simm.s32 $0x80;
	s17 =	simm.s32 $0x6400  }
0x5: {  	s18 =	simm.s32 $0xA400;
	s20 =	simm.s32 $0xE400;
	s30 =	simm.s32 $0x2  }
0x6: {  	s31 =	simm.s32 $0x4;
	s13 =	simm.s32 $0x0;
	[smem:$0x7FF] =	sst s1  }
0x7: {  	s5 =	sand.u32 $0x1, s3;
	s3 =	sadd.s32 $0xF42C00, s0;
	s4 =	sadd.s32 $0x800, s0  }
0x8: {  	s23 =	sshll.u32 s8, $0x8;
	s24 =	sshll.u32 s8, $0xF;
	_ =	strace $0x80000047  }
0x9: {  	s6 =	ssub.s32 $0x2, s5;
	s7 =	sshll.u32 s5, $0x7;
	s25 =	sshll.u32 s5, $0xE  }
0xa: {  	s22 =	sshrl.u32 s6, $0x1;
	s11 =	sor.u32 s25, s24;
	s24 =	simm.s32 $0x4000  }
0xb: {  	s25 =	simm.s32 $0x80000;
	s0 =	ssub.s32 s6, s22;
	s6 =	sor.u32 s7, s23  }
0xc: {  	s29 =	sor.u32 $0x300000, s11;
	s11 =	sor.u32 $0x200000, s11;
	s22 =	simm.s32 $0x12400  }
0xd: {  	s23 =	simm.s32 $0x1;
	s5 =	sadd.s32 s2, s6;
	s26 =	sshll.u32 s6, $0x4  }
0xe: {  	s6 =	smax.u32 s0, $0x1;
	s0 =	sshrl.u32 s29, $0x3;
	s2 =	simm.s32 $0x6380  }
0xf: {  	s7 =	sadd.s32 s4, s26;
	s28 =	sadd.s32 s0, s4;
	s26 =	simm.s32 $0x3  }
0x10: {  	s8 =	sadd.s32 $0x20000, s7;
	s9 =	sadd.s32 $0xC40000, s7;
	s10 =	sadd.s32 $0xC60000, s7  }
.LBB2_1:
0x11: {  	s0 =	simm.s32 $0x400;
	s12 =	simm.s32 $0x8000  }
0x12: {  	[tilespmem:s1], [sflag:$0x5] =	stream.strided.gather [hbm4b:s5+s0], $0x6400, s12, s0, $0x38;
	[tilespmem:$0x16400] =	vst v63  }
0x13: {  	_ =	swait.ge [sflag:s15], $0x6400  }
0x14: {  	[sflag:s15] =	ssyncset.done $0x0  }
0x15: {  	[sflag:s15] =	ssyncadd.s32 $0xFFFF9C00  }
0x16: {  	[tilespmem:s17], [sflag:$0x1] =	stream.indirect.gather [hbm4b:s3+s16], $0x80, s1, s16, $0xb8;
	[tilespmem:$0x16400] =	vst v63  }
0x17: {  	_ = 	snop  }
0x18: {  	[tilespmem:s18], [sflag:$0x1] =	stream.indirect.gather [hbm4b:s3+s16], $0x80, s16, s16, $0xb8;
	[tilespmem:$0x16400] =	vst v63  }
0x19: {  	s14 =	simm.s32 $0x100  }
0x1a: {  	[tilespmem:s20], [sflag:$0x2] =	stream.indirect.gather [hbm4b:s3+s16], $0x80, s14, s16, $0xb8;
	[tilespmem:$0x16400] =	vst v63  }
0x1b: {  	s19 =	simm.s32 $0x180  }
0x1c: {  	[tilespmem:s22], [sflag:$0x2] =	stream.indirect.gather [hbm4b:s3+s16], $0x80, s19, s16, $0xb8;
	[tilespmem:$0x16400] =	vst v63  }
0x1d: {  	_ =	swait.ge [sflag:s23], $0x4000  }
0x1e: {  	[sflag:s23] =	ssyncset.done $0x0  }
0x1f: {  	[sflag:s23] =	ssyncadd.s32 $0xFFFFC000  }
0x20: {  	_ =	swait.ge [sflag:s23], $0x4000  }
0x21: {  	[sflag:s23] =	ssyncset.done $0x0  }
0x22: {  	[sflag:s23] =	ssyncadd.s32 $0xFFFFC000  }
0x23: {  	[hbm4b:s7+s24] =	stream.strided.scatter [tilespmem:s17], [sflag:$0x3], $0x8000, s25, s24, $0x38;
	[tilespmem:$0x16400] =	vst v63  }
0x24: {  	_ =	swait.ge [sflag:s26], $0x8000  }
0x25: {  	[sflag:s26] =	ssyncset.done $0x0  }
0x26: {  	s21 =	simm.s32 $0x200;
	[sflag:s26] =	ssyncadd.s32 $0xFFFF8000  }
0x27: {  	[tilespmem:s17], [sflag:$0x1] =	stream.indirect.gather [hbm4b:s3+s16], $0x80, s21, s16, $0xb8;
	[tilespmem:$0x16400] =	vst v63  }
0x28: {  	s29 =	simm.s32 $0x280  }
0x29: {  	[tilespmem:s18], [sflag:$0x1] =	stream.indirect.gather [hbm4b:s3+s16], $0x80, s29, s16, $0xb8;
	[tilespmem:$0x16400] =	vst v63  }
0x2a: {  	_ =	swait.ge [sflag:s30], $0x4000  }
0x2b: {  	[sflag:s30] =	ssyncset.done $0x0  }
0x2c: {  	[sflag:s30] =	ssyncadd.s32 $0xFFFFC000  }
0x2d: {  	_ =	swait.ge [sflag:s30], $0x4000  }
0x2e: {  	[sflag:s30] =	ssyncset.done $0x0  }
0x2f: {  	[sflag:s30] =	ssyncadd.s32 $0xFFFFC000  }
0x30: {  	[hbm4b:s8+s24] =	stream.strided.scatter [tilespmem:s20], [sflag:$0x4], $0x8000, s25, s24, $0x38;
	[tilespmem:$0x16400] =	vst v63  }
0x31: {  	_ =	swait.ge [sflag:s31], $0x8000  }
0x32: {  	[sflag:s31] =	ssyncset.done $0x0  }
0x33: {  	s0 =	simm.s32 $0x300;
	[sflag:s31] =	ssyncadd.s32 $0xFFFF8000  }
0x34: {  	[tilespmem:s20], [sflag:$0x2] =	stream.indirect.gather [hbm4b:s3+s16], $0x80, s0, s16, $0xb8;
	[tilespmem:$0x16400] =	vst v63  }
0x35: {  	s14 =	simm.s32 $0x380  }
0x36: {  	[tilespmem:s22], [sflag:$0x2] =	stream.indirect.gather [hbm4b:s3+s16], $0x80, s14, s16, $0xb8;
	[tilespmem:$0x16400] =	vst v63  }
0x37: {  	_ =	swait.ge [sflag:s23], $0x4000  }
0x38: {  	[sflag:s23] =	ssyncset.done $0x0  }
0x39: {  	[sflag:s23] =	ssyncadd.s32 $0xFFFFC000  }
0x3a: {  	_ =	swait.ge [sflag:s23], $0x4000  }
0x3b: {  	s19 =	sshrl.u32 s11, $0x3;
	[sflag:s23] =	ssyncset.done $0x0  }
0x3c: {  	s12 =	sadd.s32 s4, s19;
	[sflag:s23] =	ssyncadd.s32 $0xFFFFC000  }
0x3d: {  	[hbm4b:s12+s24] =	stream.strided.scatter [tilespmem:s17], [sflag:$0x3], $0x8000, s25, s24, $0x38;
	[tilespmem:$0x16400] =	vst v63  }
0x3e: {  	_ =	swait.ge [sflag:s26], $0x8000  }
0x3f: {  	[sflag:s26] =	ssyncset.done $0x0  }
0x40: {  	s21 =	simm.s32 $0x400;
	[sflag:s26] =	ssyncadd.s32 $0xFFFF8000  }
0x41: {  	[tilespmem:s17], [sflag:$0x1] =	stream.indirect.gather [hbm4b:s3+s16], $0x80, s21, s16, $0xb8;
	[tilespmem:$0x16400] =	vst v63  }
0x42: {  	s29 =	simm.s32 $0x480  }
0x43: {  	[tilespmem:s18], [sflag:$0x1] =	stream.indirect.gather [hbm4b:s3+s16], $0x80, s29, s16, $0xb8;
	[tilespmem:$0x16400] =	vst v63  }
0x44: {  	_ =	swait.ge [sflag:s30], $0x4000  }
0x45: {  	[sflag:s30] =	ssyncset.done $0x0  }
0x46: {  	[sflag:s30] =	ssyncadd.s32 $0xFFFFC000  }
0x47: {  	_ =	swait.ge [sflag:s30], $0x4000  }
0x48: {  	s19 =	sadd.s32 $0x200000, s11;
	s14 =	simm.s32 $0x800;
	[sflag:s30] =	ssyncset.done $0x0  }
0x49: {  	s12 =	smov.u32 s28;
	s21 =	sadd.s32 $0x40000, s28;
	[sflag:s30] =	ssyncadd.s32 $0xFFFFC000  }
.LBB2_2:
0x4a: {  	[hbm4b:s12+s24] =	stream.strided.scatter [tilespmem:s20], [sflag:$0x4], $0x8000, s25, s24, $0x38;
	[tilespmem:$0x16400] =	vst v63  }
0x4b: {  	s29 =	smov.u32 s14;
	s12 =	smov.u32 s21  }
0x4c: {  	p0 =	sne.s32 s14, $0x17800;
	s14 =	sadd.s32 $0x800, s14;
	_ =	swait.ge [sflag:s31], $0x8000  }
0x4d: {  	s29 =	sshra.s32 s29, $0x2;
	[sflag:s31] =	ssyncset.done $0x0  }
0x4e: {  	s0 =	sadd.s32 $0x300, s29;
	[sflag:s31] =	ssyncadd.s32 $0xFFFF8000  }
0x4f: {  	[tilespmem:s20], [sflag:$0x2] =	stream.indirect.gather [hbm4b:s3+s16], $0x80, s0, s16, $0xb8;
	[tilespmem:$0x16400] =	vst v63  }
0x50: {  	s0 =	sadd.s32 $0x380, s29  }
0x51: {  	[tilespmem:s22], [sflag:$0x2] =	stream.indirect.gather [hbm4b:s3+s16], $0x80, s0, s16, $0xb8;
	[tilespmem:$0x16400] =	vst v63  }
0x52: {  	_ =	swait.ge [sflag:s23], $0x4000  }
0x53: {  	[sflag:s23] =	ssyncset.done $0x0  }
0x54: {  	[sflag:s23] =	ssyncadd.s32 $0xFFFFC000  }
0x55: {  	_ =	swait.ge [sflag:s23], $0x4000  }
0x56: {  	s0 =	sshrl.u32 s19, $0x3;
	[sflag:s23] =	ssyncset.done $0x0  }
0x57: {  	s0 =	sadd.s32 s4, s0;
	[sflag:s23] =	ssyncadd.s32 $0xFFFFC000  }
0x58: {  	[hbm4b:s0+s24] =	stream.strided.scatter [tilespmem:s17], [sflag:$0x3], $0x8000, s25, s24, $0x38;
	[tilespmem:$0x16400] =	vst v63  }
0x59: {  	_ =	swait.ge [sflag:s26], $0x8000  }
0x5a: {  	[sflag:s26] =	ssyncset.done $0x0  }
0x5b: {  	s0 =	sadd.s32 $0x400, s29;
	[sflag:s26] =	ssyncadd.s32 $0xFFFF8000  }
0x5c: {  	[tilespmem:s17], [sflag:$0x1] =	stream.indirect.gather [hbm4b:s3+s16], $0x80, s0, s16, $0xb8;
	[tilespmem:$0x16400] =	vst v63  }
0x5d: {  	s0 =	sadd.s32 $0x480, s29  }
0x5e: {  	[tilespmem:s18], [sflag:$0x1] =	stream.indirect.gather [hbm4b:s3+s16], $0x80, s0, s16, $0xb8;
	[tilespmem:$0x16400] =	vst v63  }
0x5f: {  	_ =	swait.ge [sflag:s30], $0x4000  }
.Ltmp0:
0x60: {  	[sflag:s30] =	ssyncset.done $0x0;
	(pc) =	sbr.rel @p0 .LBB2_2-.Ltmp0, $4  }
0x61: {  	[sflag:s30] =	ssyncadd.s32 $0xFFFFC000  }
0x62: {  	_ =	swait.ge [sflag:s30], $0x4000  }
0x63: {  	[sflag:s30] =	ssyncset.done $0x0  }
0x64: {  	s21 =	sadd.s32 $0x40000, s21;
	s19 =	sadd.s32 $0x200000, s19;
	[sflag:s30] =	ssyncadd.s32 $0xFFFFC000  }
0x65: {  	[hbm4b:s12+s24] =	stream.strided.scatter [tilespmem:s20], [sflag:$0x4], $0x8000, s25, s24, $0x38;
	[tilespmem:$0x16400] =	vst v63  }
0x66: {  	_ =	swait.ge [sflag:s31], $0x8000  }
0x67: {  	[sflag:s31] =	ssyncset.done $0x0  }
0x68: {  	s0 =	simm.s32 $0x6300;
	[sflag:s31] =	ssyncadd.s32 $0xFFFF8000  }
0x69: {  	[tilespmem:s20], [sflag:$0x2] =	stream.indirect.gather [hbm4b:s3+s16], $0x80, s0, s16, $0xb8;
	[tilespmem:$0x16400] =	vst v63  }
0x6a: {  	_ = 	snop  }
0x6b: {  	[tilespmem:s22], [sflag:$0x2] =	stream.indirect.gather [hbm4b:s3+s16], $0x80, s2, s16, $0xb8;
	[tilespmem:$0x16400] =	vst v63  }
0x6c: {  	_ =	swait.ge [sflag:s23], $0x4000  }
0x6d: {  	[sflag:s23] =	ssyncset.done $0x0  }
0x6e: {  	[sflag:s23] =	ssyncadd.s32 $0xFFFFC000  }
0x6f: {  	_ =	swait.ge [sflag:s23], $0x4000  }
0x70: {  	[sflag:s23] =	ssyncset.done $0x0  }
0x71: {  	[sflag:s23] =	ssyncadd.s32 $0xFFFFC000  }
0x72: {  	[hbm4b:s9+s24] =	stream.strided.scatter [tilespmem:s17], [sflag:$0x3], $0x8000, s25, s24, $0x38;
	[tilespmem:$0x16400] =	vst v63  }
0x73: {  	_ =	swait.ge [sflag:s30], $0x4000  }
0x74: {  	[sflag:s30] =	ssyncset.done $0x0  }
0x75: {  	[sflag:s30] =	ssyncadd.s32 $0xFFFFC000  }
0x76: {  	_ =	swait.ge [sflag:s30], $0x4000  }
0x77: {  	[sflag:s30] =	ssyncset.done $0x0  }
0x78: {  	s13 =	sadd.s32 $0x1, s13;
	[sflag:s30] =	ssyncadd.s32 $0xFFFFC000  }
0x79: {  	[hbm4b:s10+s24] =	stream.strided.scatter [tilespmem:s20], [sflag:$0x4], $0x8000, s25, s24, $0x38;
	[tilespmem:$0x16400] =	vst v63  }
0x7a: {  	p0 =	sne.s32 s13, s6;
	_ =	swait.ge [sflag:s26], $0x8000  }
.Ltmp1:
0x7b: {  	[sflag:s26] =	ssyncset.done $0x0;
	(pc) =	sbr.rel @p0 .LBB2_1-.Ltmp1, $4  }
0x7c: {  	[sflag:s26] =	ssyncadd.s32 $0xFFFF8000  }
0x7d: {  	_ =	swait.ge [sflag:s31], $0x8000  }
0x7e: {  	[sflag:s31] =	ssyncset.done $0x0  }
0x7f: {  	[sflag:s31] =	ssyncadd.s32 $0xFFFF8000  }
0x80: {  	_ =	sfence.sel $0x180000  }
0x81: {  	[bflag:$0x0] =	sbarrier.arrive $0xFFFF  }
0x82: {  	_ =	strace $0x90000047  }
0x83: {  	s0 =	stileid.u32;
	[bflag:$0x2] =	sbarrier.arrive $0xFFFF  }
0x84: {  	p0 =	sne.s32 s0, $0x0;
	s0 =	rddreg [dreg:$0x2]  }
0x85: {  	s0 =	sadd.s32 @!p0 $0x100000, s0  }
0x86: {  	[sflag:s0] =	ssyncadd.tile.s32 @!p0 $0x1;
	_ =	shalt  }
.Lfunc_end2:
_tile_overlayer_lowered:
.L_overlay_start_2:
0x87: {  	(tag) =	ssettag $0x2  }
0x88: {  	s0 =	rddreg [dreg:$0x0];
	s2 =	stileid.u32  }
0x89: {  	s1 =	rddreg [dreg:$0x1];
	p0 =	sne.s32 s2, $0x0  }
0x8a: {  	s3 =	rddreg [dreg:$0x2];
	[bflag:$0x3] =	sbarrier.arrive $0xFFFF;
	s2 =	simm.s32 @!p0 $0x1C05  }
0x8b: {  	[timem:s3], [sflag:s2] =	dma.local @!p0 [hbm:s0], s1  }
0x8c: {  	s0 =	simm.s32 @!p0 $0x5  }
0x8d: {  	_ =	swait.ge @!p0 [sflag:s0], s1  }
0x8e: {  	s1 =	ssub.s32 @!p0 $0x0, s1;
	[sflag:s0] =	ssyncset.done @!p0 $0x0  }
0x8f: {  	[sflag:s0] =	ssyncadd.s32 @!p0 s1  }
0x90: {  	[bflag:$0x3] =	sbarrier.arrive $0xFFFF  }
0x91: {  	_ =	shalt  }

// kernel: sparse-core-data-format-call.cloned.1.call-start
scs
called_computation_lowered:
.L_overlay_start_0:
0x0: {  	s2 =	sld [smem:$0x3FD9]  }
0x1: {  	s3 =	sld [smem:$0x3FFE];
	_ =	sdelay $0x1  }
0x2: {  	s1 =	srdreg.scid  }
0x3: {  	s0 =	sand.u32 $0x1, s1  }
0x4: {  	s18 =	sshll.u32 s0, $0xA;
	s2 =	sadd.s32 s3, s2  }
0x5: {  	s2 =	sadd.s32 s2, s18  }
0x6: {  	[smem:$0x3FC6] =	sst s2  }
0x7: {  	_ = 	snop  }
0x8: {  	s2 =	sld [smem:$0x3FD0];
	(tm) =	ssettm $0x1  }
0x9: {  	s19 =	sld [smem:$0x3FFB];
	_ =	sdelay $0x3  }
0xa: {  	_ =	strace s19  }
0xb: {  	s3 =	sld [smem:$0x3FFC];
	_ =	sdelay $0x3  }
0xc: {  	_ =	strace s3  }
0xd: {  	s3 =	sld [smem:$0x3FFD];
	_ =	sdelay $0x3  }
0xe: {  	_ =	strace s3  }
0xf: {  	_ =	strace $0x8FFFFFFF  }
0x10: {  	s20 =	sld [smem:$0x3FDB];
	_ =	sdelay $0x1  }
0x11: {  	s4 =	simm.s32 $_scs_section_size  }
0x12: {  	s5 =	simm.s32 $_size__tile_overlayer_lowered;
	s6 =	simm.s32 $_tile_overlayer_lowered  }
0x13: {  	s23 =	simm.s32 $0x1BFF;
	s22 =	sshll.u32 s6, $0x1;
	s3 =	sadd.s32 s4, s20  }
0x14: {  	s7 =	simm.s32 $0x0;
	s21 =	sshll.u32 s5, $0x1;
	s5 =	sadd.s32 s22, s3  }
0x15: {  	[timem:s7], [sflag:s23] =	dma.local [hbm:s5], s21  }
0x16: {  	_ =	swait.ge [sflag:s23], s21  }
0x17: {  	s4 =	ssub.s32 $0x0, s21;
	[sflag:s23] =	ssyncset.done $0x0  }
0x18: {  	[sflag:s23] =	ssyncadd.s32 s4;
	_ =	sdelay $0x1  }
0x19: {  	s24 =	simm.s32 $0x1B8B  }
0x1a: {  	_ =	swait.ge [sflag:s24], $0x1  }
0x1b: {  	[sflag:s24] =	ssyncset.done $0x0  }
0x1c: {  	s26 =	simm.s32 $0x1B8E;
	s25 =	sld [smem:$0x3FFE];
	[sflag:s24] =	ssyncadd.s32 $0xFFFFFFFF  }
0x1d: {  	s27 =	simm.s32 $execute0_lowered;
	[smem:$0x3FD2] =	sst s26  }
0x1e: {  	s5 =	sshll.u32 s27, $0x1;
	_ =	strace $0x80000049;
	[dreg:$0x1] =	wrdreg $0xFFFFFFFF  }
0x1f: {  	s28 =	simm.s32 $_size_execute0_lowered;
	s3 =	sadd.s32 s3, s5;
	[dreg:$0x0] =	wrdreg $0x0  }
0x20: {  	s5 =	sshll.u32 s28, $0x1;
	[dreg:$0x2] =	wrdreg s3  }
0x21: {  	[dreg:$0x3] =	wrdreg s5  }
0x22: {  	[dreg:$0x4] =	wrdreg $0xC0  }
0x23: {  	_ =	task [dreg:s7], $0x5FFFF  }
0x24: {  	[dreg:$0x1] =	wrdreg $0xFFFFFFFF  }
0x25: {  	[dreg:$0x0] =	wrdreg $0x60  }
0x26: {  	[dreg:$0x2] =	wrdreg s25  }
0x27: {  	[dreg:$0x3] =	wrdreg s2  }
0x28: {  	[dreg:$0x4] =	wrdreg $0x9  }
0x29: {  	_ =	task.clear_ibuf [dreg:s7], $0x5FFFF;
	_ =	strace $0x90000049  }
0x2a: {  	s29 =	simm.s32 $0x9;
	_ =	strace $0x8000004B  }
0x2b: {  	_ =	swait.ge [sflag:s29], $0x1  }
0x2c: {  	[sflag:s29] =	ssyncadd.s32 $0xFFFFFFFF  }
0x2d: {  	_ =	strace $0x9000004B  }
0x2e: {  	_ =	sfence  }
0x2f: {  	s30 =	sld [smem:$0x0];
	_ =	sdelay $0x2  }
0x30: {  	s31 =	sshll.u32 s1, $0xD;
	s1 =	sshrl.u32 s1, $0x2  }
0x31: {  	s3 =	sand.u32 $0x4000, s31;
	s1 =	sadd.s32 s1, s30  }
0x32: {  	s0 =	sor.u32 s3, s0;
	s1 =	sshll.u32 s1, $0x11  }
0x33: {  	s0 =	sor.u32 s1, s0  }
0x34: {  	s0 =	sadd.s32 $0x8F2B, s0  }
0x35: {  	[sflag:s0] =	ssyncadd.remote.s32 $0x1  }
0x36: {  	_ =	sfence.sel $0xFFFF  }
0x37: {  	[dreg:$0x0] =	wrdreg $0xFFFFFFFF;
	(pc) =	sbr.abs _section_cstart, $3  }
0x38: {  	[dreg:$0x1] =	wrdreg $0xFFFFFFFF  }
0x39: {  	_ =	task.clear_ibuf [dreg:s7], $0x2FFFF;
	_ =	strace $0x9FFFFFFF  }
0x3a: {  	(tm) =	ssettm $0x7FFFFFFF  }
0x3b: {  	_ =	shalt  }
tec
execute0_lowered:
.L_overlay_start_1:
0x0: {  	(tag) =	ssettag $0x1  }
0x1: {  	s0 =	srdreg.scid  }
0x2: {  	s1 =	sshll.u32 s0, $0x4  }
0x3: {  	s5 =	rddreg [dreg:$0x0];
	s0 =	stileid.u32;
	s1 =	sand.u32 $0x10, s1  }
0x4: {  	s3 =	rddreg [dreg:$0x1];
	s31 =	simm.s32 $0x2;
	s4 =	sor.u32 s0, s1  }
0x5: {  	s13 =	simm.s32 $0x0;
	s9 =	simm.s32 $0x400;
	s2 =	sshll.u32 s4, $0x7  }
0x6: {  	s10 =	simm.s32 $0x8000;
	s14 =	simm.s32 $0x0;
	s6 =	ssub.s32 $0x1000, s2  }
0x7: {  	s1 =	rddreg [dreg:$0x2];
	_ =	strace $0x8000004A;
	s7 =	sand.u32 $0xF80, s6  }
0x8: {  	s4 =	sshll.u32 s4, $0xB;
	p0 =	sne.s32 s7, $0x0;
	s7 =	simm.s32 $0x1  }
.Ltmp0:
0x9: {  	s6 =	sshrl.u32 s6, $0xC;
	s7 =	simm.s32 @!p0 $0x0;
	(pc) =	sbr.rel .LBB1_1-.Ltmp0, $4  }
0xa: {  	s8 =	sadd.s32 s4, s5;
	s4 =	simm.s32 $0x1;
	s30 =	sadd.s32 s7, s6  }
0xb: {  	s11 =	simm.s32 $0x0;
	[sflag:s4] =	ssyncpa.u1 $0x0;
	s5 =	smul.u32 $0x64, s30  }
0xc: {  	s12 =	simm.s32 $0x0;
	[sflag:s31] =	ssyncpa.u1 $0x0;
	p0 =	por $0x0, $0x0  }
0xd: {  	s6 =	sadd.s32 $0x800, s8;
	s7 =	sadd.s32 $0x10800, s8;
	s8 =	sor.u32 $0x1, s5  }
.LBB1_7:
0xe: {  	s15 =	sadd.s32 $0x2, s11  }
0xf: {  	p2 =	sgt.s32 s15, $0xC7  }
0x10: {  	s15 =	simm.s32 @p2 $0x0;
	p2 =	sne.s32 s12, s8  }
.Ltmp1:
0x11: {  	p1 =	slt.u32 s12, $0x2;
	(pc) =	sbr.rel @!p2 .LBB1_8-.Ltmp1, $4  }
0x12: {  	s13 =	simm.s32 @!p1 $0x2  }
0x13: {  	s16 =	sadd.s32 $0x1, s12;
	s14 =	smov.u32 s11;
	_ =	swait.ge @!p1 [sflag:s13], $0x4000  }
0x14: {  	p0 =	por !p0, !p0;
	s12 =	smov.u32 s16;
	[sflag:s13] =	ssyncset.done @!p1 $0x0  }
0x15: {  	s11 =	smov.u32 s15;
	[sflag:s13] =	ssyncadd.s32 @!p1 $0xFFFFC000;
	s13 =	smov.u32 s2  }
.LBB1_1:
0x16: {  	p1 =	sge.u32 s12, s5  }
0x17: {  	s15 =	sxor.u32 @!p1 $0xFFFFFFFF, s12  }
0x18: {  	s16 =	sshll.u32 @!p1 s11, $0x10;
	s18 =	simm.s32 @!p1 $0x40;
	s15 =	sshll.u32 @!p1 s15, $0xE  }
0x19: {  	s19 =	simm.s32 @!p1 $0x80;
	s17 =	sadd.s32 @!p1 s16, s6;
	s15 =	sand.u32 @!p1 $0x4000, s15  }
0x1a: {  	[tilespmem:s15], [sflag:$0x1] =	stream.strided.gather @!p1 [hbm4b:s17+s18], $0x2000, s19, s18, $0x38;
	[tilespmem:$0x10100] =	vst v63  }
0x1b: {  	s31 =	sadd.s32 $0xFFFFFFFF, s12;
	s16 =	sadd.s32 @!p1 s16, s7;
	s15 =	sor.u32 @!p1 $0x2000, s15  }
0x1c: {  	[tilespmem:s15], [sflag:$0x1] =	stream.strided.gather @!p1 [hbm4b:s16+s18], $0x2000, s19, s18, $0x38;
	[tilespmem:$0x10100] =	vst v63  }
0x1d: {  	p1 =	sge.u32 s31, s5  }
.Ltmp2:
0x1e: {  	_ = 	snop;
	(pc) =	sbr.rel @p1 .LBB1_7-.Ltmp2, $1  }
0x1f: {  	_ =	sdelay $0x3  }
0x20: {  	s15 =	simm.s32 $0x1;
	s17 =	sand.u32 $0x1, s12  }
0x21: {  	_ =	swait.ge [sflag:s4], $0x4000;
	s15 =	simm.s32 @!p0 $0x0;
	s17 =	smul.u32 $0x10200, s17  }
0x22: {  	p2 =	por $0x1, $0x1;
	[sflag:s4] =	ssyncset.done $0x0;
	s16 =	smul.u32 $0x10200, s15  }
0x23: {  	s18 =	sshll.u32 s15, $0x10;
	[sflag:s4] =	ssyncadd.s32 $0xFFFFC000;
	s30 =	sshrl.u32 s17, $0x2  }
0x24: {  	s31 =	sshrl.u32 s18, $0x2;
	s18 =	simm.s32 $0x0;
	s16 =	sshrl.u32 s16, $0x2  }
0x25: {  	s15 =	sor.u32 $0x8000, s30;
	s17 =	sadd.s32 $0x20, s31;
	s16 =	sor.u32 $0x8000, s16  }
.LBB1_3:
0x26: {  	s19 =	sshll.u32 s18, $0xD  }
0x27: {  	s19 =	sand.u32 $0x3FFFE000, s19  }
0x28: {  	s21 =	sadd.s32 s19, s17  }
0x29: {  	s31 =	smul.u32 $0x8100, s18;
	v3 =	vld [tilespmem:s21+$0x10]  }
0x2a: {  	v1 =	vld [tilespmem:s21+$0xFFFFFFF0]  }
0x2b: {  	s18 =	sshra.s32 s31, $0x2;
	v0 =	vld [tilespmem:s21+$0x0]  }
0x2c: {  	s18 =	sadd.s32 s18, s16;
	v2 =	vld [tilespmem:s21+$0xFFFFFFE0]  }
0x2d: {  	s19 =	sadd.s32 $0x0, s18  }
0x2e: {  	p1 =	por p2, p2;
	s20 =	simm.s32 $0x4;
	s21 =	sadd.s32 $0x40, s21;
	[tilespmem:s19+$0x1830 ss:$0x81] =	vst.msk $0xffff, v3  }
.LBB1_4:
0x2f: {  	v3 =	vld [tilespmem:s21+$0x10];
	p2 =	sne.s32 s20, $0x1FC;
	[tilespmem:s19+$0x810 ss:$0x81] =	vst.msk $0xffff, v1;
	s22 =	smov.u32 s20;
	s20 =	sadd.s32 $0x4, s20  }
.Ltmp3:
0x30: {  	v1 =	vld [tilespmem:s21+$0xFFFFFFF0];
	[tilespmem:s19+$0x1020 ss:$0x81] =	vst.msk $0xffff, v0;
	(pc) =	sbr.rel @p2 .LBB1_4-.Ltmp3, $4  }
0x31: {  	v0 =	vld [tilespmem:s21+$0x0];
	[tilespmem:s19+$0x0 ss:$0x81] =	vst.msk $0xffff, v2  }
0x32: {  	s19 =	sshra.s32 s22, $0x2;
	v2 =	vld [tilespmem:s21+$0xFFFFFFE0]  }
0x33: {  	s19 =	sadd.s32 s19, s18  }
0x34: {  	s21 =	sadd.s32 $0x40, s21;
	[tilespmem:s19+$0x1830 ss:$0x81] =	vst.msk $0xffff, v3  }
.Ltmp4:
0x35: {  	(pc) =	sbr.rel @p1 .LBB1_3-.Ltmp4, $4  }
0x36: {  	_ = 	snop  }
0x37: {  	[tilespmem:s19+$0x810 ss:$0x81] =	vst.msk $0xffff, v1  }
0x38: {  	[tilespmem:s19+$0x1020 ss:$0x81] =	vst.msk $0xffff, v0  }
0x39: {  	s18 =	simm.s32 $0x1;
	p2 =	por $0x0, $0x0;
	[tilespmem:s19+$0x0 ss:$0x81] =	vst.msk $0xffff, v2  }
.Ltmp5:
0x3a: {  	(pc) =	sbr.rel .LBB1_7-.Ltmp5, $4  }
0x3b: {  	s14 =	sshll.u32 s14, $0xF  }
0x3c: {  	s14 =	sadd.s32 s3, s14  }
0x3d: {  	s13 =	sadd.s32 s13, s14  }
0x3e: {  	[hbm4b:s13+s9] =	stream.strided.scatter [tilespmem:s15], [sflag:$0x2], $0x4000, s10, s9, $0x20;
	[tilespmem:$0x10100] =	vst v63  }
.LBB1_8:
0x3f: {  	_ =	sfence.sel $0x180000  }
0x40: {  	s2 =	simm.s32 $0x1;
	[bflag:$0x0] =	sbarrier.arrive $0xFFFF  }
0x41: {  	s31 =	simm.s32 $0x2;
	[sflag:s2] =	ssyncpa.u1 $0x1  }
0x42: {  	[sflag:s31] =	ssyncpa.u1 $0x1  }
0x43: {  	p0 =	sne.s32 s0, $0x0;
	_ =	strace $0x9000004A  }
0x44: {  	s0 =	sadd.s32 @!p0 $0x100000, s1;
	[bflag:$0x2] =	sbarrier.arrive $0xFFFF  }
0x45: {  	[sflag:s0] =	ssyncadd.tile.s32 @!p0 $0x1;
	_ =	shalt  }
.Lfunc_end1:
_tile_overlayer_lowered:
.L_overlay_start_2:
0x46: {  	(tag) =	ssettag $0x2  }
0x47: {  	s0 =	rddreg [dreg:$0x0];
	s2 =	stileid.u32  }
0x48: {  	s1 =	rddreg [dreg:$0x1];
	p0 =	sne.s32 s2, $0x0  }
0x49: {  	s3 =	rddreg [dreg:$0x2];
	[bflag:$0x3] =	sbarrier.arrive $0xFFFF;
	s2 =	simm.s32 @!p0 $0x1C01  }
0x4a: {  	[timem:s3], [sflag:s2] =	dma.local @!p0 [hbm:s0], s1  }
0x4b: {  	s0 =	simm.s32 @!p0 $0x1  }
0x4c: {  	_ =	swait.ge @!p0 [sflag:s0], s1  }
0x4d: {  	s1 =	ssub.s32 @!p0 $0x0, s1;
	[sflag:s0] =	ssyncset.done @!p0 $0x0  }
0x4e: {  	[sflag:s0] =	ssyncadd.s32 @!p0 s1  }
0x4f: {  	[bflag:$0x3] =	sbarrier.arrive $0xFFFF  }
0x50: {  	_ =	shalt  }

</sc_bundles>
